<compile_context>
chip_gen: v7x
topology: tpu7x:2x2x1
jax: 0.10.2.dev20260603
libtpu: 0.0.44.dev20260713+nightly
codegen_flags: <defaults>
</compile_context>

<pallas_src>
import functools

import jax
import jax.numpy as jnp
from jax import lax
from jax.experimental import pallas as pl
from jax.experimental.pallas import tpu as pltpu
from jax.experimental.pallas import tpu_sc as plsc


def _make_bias_gather(v, d, b):
    info = plsc.get_sparse_core_info()
    nc, ns = info.num_cores, info.num_subcores
    nw = nc * ns
    b_per_w = b // nw
    mesh = plsc.VectorSubcoreMesh(core_axis_name="c", subcore_axis_name="s")

    @functools.partial(
        pl.kernel, mesh=mesh,
        out_type=jax.ShapeDtypeStruct((b, d), jnp.float32),
        scratch_types=[
            pltpu.VMEM((b_per_w,), jnp.int32),
            pltpu.VMEM((b_per_w, d), jnp.float32),
            pltpu.SemaphoreType.DMA,
        ],
    )
    def gather_k(table_hbm, idx_hbm, out_hbm, idx_v, rows_v, sem):
        wid = lax.axis_index("s") * nc + lax.axis_index("c")
        base = wid * b_per_w
        pltpu.sync_copy(idx_hbm.at[pl.ds(base, b_per_w)], idx_v)
        pltpu.async_copy(table_hbm.at[idx_v], rows_v, sem).wait()
        pltpu.sync_copy(rows_v, out_hbm.at[pl.ds(base, b_per_w)])

    return gather_k


def _adapter_kernel(seg_ref, x_ref, b2_ref, a2_ref, biasg_ref, out_ref):
    x = x_ref[...]
    seg = seg_ref[...]
    t = jax.lax.dot_general(x, b2_ref[...], (((1,), (1,)), ((), ())),
                            preferred_element_type=jnp.float32)
    cols = jax.lax.broadcasted_iota(jnp.int32, t.shape, 1)
    t = jnp.where((cols >> 5) == seg, t, 0.0)
    y = jax.lax.dot_general(t, a2_ref[...], (((1,), (0,)), ((), ())),
                            preferred_element_type=jnp.float32)
    out_ref[...] = y + biasg_ref[...]


def kernel(math_hidden_states, segment_ids, A_matrices, B_matrices, bias):
    n, h = math_hidden_states.shape
    s, _, r = A_matrices.shape
    bt = 512
    seg_i32 = segment_ids.astype(jnp.int32)
    bias_g = _make_bias_gather(s, h, n)(bias, seg_i32)
    b2 = B_matrices.reshape(s * r, h)
    a2 = A_matrices.transpose(0, 2, 1).reshape(s * r, h)
    seg2 = seg_i32.reshape(n, 1)
    out = pl.pallas_call(
        _adapter_kernel,
        grid=(n // bt,),
        in_specs=[
            pl.BlockSpec((bt, 1), lambda i: (i, 0)),
            pl.BlockSpec((bt, h), lambda i: (i, 0)),
            pl.BlockSpec((s * r, h), lambda i: (0, 0)),
            pl.BlockSpec((s * r, h), lambda i: (0, 0)),
            pl.BlockSpec((bt, h), lambda i: (i, 0)),
        ],
        out_specs=pl.BlockSpec((bt, h), lambda i: (i, 0)),
        out_shape=jax.ShapeDtypeStruct((n, h), jnp.float32),
    )(seg2, math_hidden_states, b2, a2, bias_g)
    return out

# --- scband reference (transcript-rebuilt; emitter-appended) ---
"""Pipeline reference for scband-translator-7060926235319 (READ-ONLY COPY).

The authoritative reference and input builder live on the scoring server;
editing this copy changes nothing except your own understanding.
"""

import jax, jax.numpy as jnp
import numpy as np

NUM_SEGMENTS = 16
HIDDEN = 1024
RANK = 32
N_TOKENS = 2048


def _xavier_uniform(key, shape):
    # torch xavier for 3D: fan_in = size(1)*rf, fan_out = size(0)*rf, rf = prod(dims[2:])
    rf = 1
    for d in shape[2:]:
        rf *= d
    fan_in = shape[1] * rf
    fan_out = shape[0] * rf
    limit = math_sqrt(6.0 / (fan_in + fan_out))
    return jax.random.uniform(key, shape, jnp.float32, -limit, limit)


def math_sqrt(x):
    return float(np.sqrt(x))


def setup_inputs(seed: int = 0) -> dict:
    key = jax.random.key(seed)
    k1, k2, k3, k4 = jax.random.split(key, 4)
    A_matrices = _xavier_uniform(k1, (NUM_SEGMENTS, HIDDEN, RANK))
    B_matrices = _xavier_uniform(k2, (NUM_SEGMENTS, RANK, HIDDEN))
    bias = jnp.zeros((NUM_SEGMENTS, HIDDEN), dtype=jnp.float32)
    math_hidden_states = jax.random.normal(k3, (N_TOKENS, HIDDEN), dtype=jnp.float32)
    segment_ids = jax.random.randint(k4, (N_TOKENS,), 0, NUM_SEGMENTS)
    return {
        "math_hidden_states": math_hidden_states,
        "segment_ids": segment_ids,
        "A_matrices": A_matrices,
        "B_matrices": B_matrices,
        "bias": bias,
    }


def reference(math_hidden_states, segment_ids, A_matrices, B_matrices, bias):
    # gather per-token expert matrices (SparseCore-style gather)
    gathered_A = jnp.take(A_matrices, segment_ids, axis=0)  # [N, H, R]
    gathered_B = jnp.take(B_matrices, segment_ids, axis=0)  # [N, R, H]
    # bmm(gathered_B, x.unsqueeze(-1)) -> [N, R]
    intermediate_states = jnp.einsum('nrh,nh->nr', gathered_B, math_hidden_states)
    # bmm(gathered_A, intermediate) -> [N, H]
    transformed_states = jnp.einsum('nhr,nr->nh', gathered_A, intermediate_states)
    return transformed_states + jnp.take(bias, segment_ids, axis=0)

if __name__ == "__main__":
    import jax
    _d = setup_inputs()
    print(jax.jit(kernel)(*tuple(_d.values())))

</pallas_src>

<mosaic_0001>
#map = affine_map<(d0, d1) -> (0, 0)>
#map1 = affine_map<(d0, d1) -> (0)>
module attributes {stable_mosaic.version = 14 : i64} {
  func.func @gather_k(%arg0: i32, %arg1: i32, %arg2: memref<16x1024xf32, #tpu.memory_space<hbm>>, %arg3: memref<2048xi32, #tpu.memory_space<hbm>>, %arg4: memref<2048x1024xf32, #tpu.memory_space<hbm>>, %arg5: memref<64xi32, #tpu.memory_space<vmem>>, %arg6: memref<64x1024xf32, #tpu.memory_space<vmem>>, %arg7: memref<!tpu.dma_semaphore, #tpu.memory_space<semaphore_mem>>) attributes {dimension_semantics = [#tpu.dimension_semantics<core_parallel>, #tpu.dimension_semantics<subcore_parallel>], iteration_bounds = array<i64: 2, 16>, scalar_prefetch = 0 : i64, scratch_operands = 3 : i64, tpu.core_type = #tpu.core_type<sc_vector_subcore>, window_params = [{transform_indices = #map}, {transform_indices = #map1}, {transform_indices = #map}]} {
    %mul3A = arith.constant 2 : i32
    %mul3A_0 = arith.muli %arg1, %mul3A : i32
    %add3A = arith.addi %mul3A_0, %arg0 : i32
    %mul3A_1 = arith.constant 64 : i32
    %mul3A_2 = arith.muli %add3A, %mul3A_1 : i32
    "tpu.region"() ({
      %run_scoped3A = tpu.sem_alloc : memref<!tpu.dma_semaphore, #tpu.memory_space<semaphore_mem>>
      %dma_start3A_7 = tpu.memref_slice %arg3[%mul3A_2] : memref<2048xi32, #tpu.memory_space<hbm>> -> memref<64xi32, #tpu.memory_space<hbm>>
      %dma_start3A_8 = tpu.memref_slice %arg3[%mul3A_2] : memref<2048xi32, #tpu.memory_space<hbm>> -> memref<64xi32, #tpu.memory_space<hbm>>
      tpu.enqueue_dma source(%dma_start3A_8 : memref<64xi32, #tpu.memory_space<hbm>>) target(%arg5 : memref<64xi32, #tpu.memory_space<vmem>>) target_semaphore(%run_scoped3A : memref<!tpu.dma_semaphore, #tpu.memory_space<semaphore_mem>>)
      %dma_wait3A_9 = tpu.memref_slice %arg3[%mul3A_2] : memref<2048xi32, #tpu.memory_space<hbm>> -> memref<64xi32, #tpu.memory_space<hbm>>
      %dma_wait3A_10 = tpu.memref_slice %arg3[%mul3A_2] : memref<2048xi32, #tpu.memory_space<hbm>> -> memref<64xi32, #tpu.memory_space<hbm>>
      tpu.wait_dma2 semaphore(%run_scoped3A : memref<!tpu.dma_semaphore, #tpu.memory_space<semaphore_mem>>) src(%dma_wait3A_10 : memref<64xi32, #tpu.memory_space<hbm>>) dst(%arg5 : memref<64xi32, #tpu.memory_space<vmem>>)
      tpu.yield
    }) : () -> ()
    %dma_start3A = arith.constant 0 : i32
    %dma_start3A_3 = arith.constant 0 : i32
    %dma_start3A_4 = tpu.memref_slice %arg2[%dma_start3A, %dma_start3A_3] : memref<16x1024xf32, #tpu.memory_space<hbm>> -> memref<16x1024xf32, #tpu.memory_space<hbm>>
    tpu.enqueue_indirect_dma source(%dma_start3A_4 : memref<16x1024xf32, #tpu.memory_space<hbm>>) target(%arg6 : memref<64x1024xf32, #tpu.memory_space<vmem>>) offsets(%arg5 : memref<64xi32, #tpu.memory_space<vmem>>) semaphore(%arg7 : memref<!tpu.dma_semaphore, #tpu.memory_space<semaphore_mem>>)
    %dma_wait3A = arith.constant 0 : i32
    %dma_wait3A_5 = arith.constant 0 : i32
    %dma_wait3A_6 = tpu.memref_slice %arg2[%dma_wait3A, %dma_wait3A_5] : memref<16x1024xf32, #tpu.memory_space<hbm>> -> memref<16x1024xf32, #tpu.memory_space<hbm>>
    tpu.wait_indirect_dma semaphore(%arg7 : memref<!tpu.dma_semaphore, #tpu.memory_space<semaphore_mem>>) src(%dma_wait3A_6 : memref<16x1024xf32, #tpu.memory_space<hbm>>) dst(%arg6 : memref<64x1024xf32, #tpu.memory_space<vmem>>)
    "tpu.region"() ({
      %run_scoped3A = tpu.sem_alloc : memref<!tpu.dma_semaphore, #tpu.memory_space<semaphore_mem>>
      %dma_start3A_7 = arith.constant 0 : i32
      %dma_start3A_8 = tpu.memref_slice %arg4[%mul3A_2, %dma_start3A_7] : memref<2048x1024xf32, #tpu.memory_space<hbm>> -> memref<64x1024xf32, #tpu.memory_space<hbm>>
      %dma_start3A_9 = arith.constant 0 : i32
      %dma_start3A_10 = tpu.memref_slice %arg4[%mul3A_2, %dma_start3A_9] : memref<2048x1024xf32, #tpu.memory_space<hbm>> -> memref<64x1024xf32, #tpu.memory_space<hbm>>
      tpu.enqueue_dma source(%arg6 : memref<64x1024xf32, #tpu.memory_space<vmem>>) target(%dma_start3A_10 : memref<64x1024xf32, #tpu.memory_space<hbm>>) target_semaphore(%run_scoped3A : memref<!tpu.dma_semaphore, #tpu.memory_space<semaphore_mem>>)
      %dma_wait3A_11 = arith.constant 0 : i32
      %dma_wait3A_12 = tpu.memref_slice %arg4[%mul3A_2, %dma_wait3A_11] : memref<2048x1024xf32, #tpu.memory_space<hbm>> -> memref<64x1024xf32, #tpu.memory_space<hbm>>
      %dma_wait3A_13 = arith.constant 0 : i32
      %dma_wait3A_14 = tpu.memref_slice %arg4[%mul3A_2, %dma_wait3A_13] : memref<2048x1024xf32, #tpu.memory_space<hbm>> -> memref<64x1024xf32, #tpu.memory_space<hbm>>
      tpu.wait_dma2 semaphore(%run_scoped3A : memref<!tpu.dma_semaphore, #tpu.memory_space<semaphore_mem>>) src(%arg6 : memref<64x1024xf32, #tpu.memory_space<vmem>>) dst(%dma_wait3A_14 : memref<64x1024xf32, #tpu.memory_space<hbm>>)
      tpu.yield
    }) : () -> ()
    return
  }
}

module attributes {stable_mosaic.version = 14 : i64} {
  func.func @_adapter_kernel(%arg0: i32, %arg1: memref<512x1xi32, #tpu.memory_space<vmem>>, %arg2: memref<512x1024xf32, #tpu.memory_space<vmem>>, %arg3: memref<512x1024xf32, #tpu.memory_space<vmem>>, %arg4: memref<512x1024xf32, #tpu.memory_space<vmem>>, %arg5: memref<512x1024xf32, #tpu.memory_space<vmem>>, %arg6: memref<512x1024xf32, #tpu.memory_space<vmem>>) attributes {dimension_semantics = [#tpu.dimension_semantics<arbitrary>], iteration_bounds = array<i64: 4>, scalar_prefetch = 0 : i64, scratch_operands = 0 : i64, tpu.core_type = #tpu.core_type<tc>, window_params = [{transform_indices = @transform_0, window_bounds = array<i64: 512, 1>}, {transform_indices = @transform_1, window_bounds = array<i64: 512, 1024>}, {pipeline_mode = #tpu.pipeline_mode<synchronous>, transform_indices = @transform_2, window_bounds = array<i64: 512, 1024>}, {pipeline_mode = #tpu.pipeline_mode<synchronous>, transform_indices = @transform_3, window_bounds = array<i64: 512, 1024>}, {transform_indices = @transform_4, window_bounds = array<i64: 512, 1024>}, {transform_indices = @transform_5, window_bounds = array<i64: 512, 1024>}]} {
    %get3A = arith.constant 0 : index
    %get3A_0 = arith.constant 0 : index
    %get3A_1 = vector.load %arg2[%get3A, %get3A_0] : memref<512x1024xf32, #tpu.memory_space<vmem>>, vector<512x1024xf32>
    %get3A_2 = arith.constant 0 : index
    %get3A_3 = arith.constant 0 : index
    %get3A_4 = vector.load %arg1[%get3A_2, %get3A_3] : memref<512x1xi32, #tpu.memory_space<vmem>>, vector<512x1xi32>
    %get3A_5 = arith.constant 0 : index
    %get3A_6 = arith.constant 0 : index
    %get3A_7 = vector.load %arg3[%get3A_5, %get3A_6] : memref<512x1024xf32, #tpu.memory_space<vmem>>, vector<512x1024xf32>
    %dot_general3A = arith.constant dense<0.000000e+00> : vector<512x512xf32>
    %dot_general3A_8 = tpu.matmul %get3A_1, %get3A_7, %dot_general3A {dimension_numbers = #tpu.dot_dimension_numbers<[1], [1], [0], [0], [0, 0, 1, 0], [], []>, transpose_lhs_hint = false} : vector<512x1024xf32>, vector<512x1024xf32>, vector<512x512xf32> -> vector<512x512xf32>
    %iota3A = tpu.iota {dimensions = array<i32: 1>} : vector<512x512xi32>
    %shift_right_arithmetic3A = arith.constant 5 : i32
    %shift_right_arithmetic3A_9 = vector.broadcast %shift_right_arithmetic3A : i32 to vector<512x512xi32>
    %shift_right_arithmetic3A_10 = arith.shrsi %iota3A, %shift_right_arithmetic3A_9 : vector<512x512xi32>
    %eq3A = vector.broadcast %get3A_4 : vector<512x1xi32> to vector<512x512xi32>
    %eq3A_11 = arith.cmpi eq, %shift_right_arithmetic3A_10, %eq3A : vector<512x512xi32>
    %jit3A = arith.constant 0.000000e+00 : f32
    %broadcast_in_dim3A = vector.broadcast %jit3A : f32 to vector<512x512xf32>
    %select_n3A = arith.select %eq3A_11, %dot_general3A_8, %broadcast_in_dim3A : vector<512x512xi1>, vector<512x512xf32>
    %get3A_12 = arith.constant 0 : index
    %get3A_13 = arith.constant 0 : index
    %get3A_14 = vector.load %arg4[%get3A_12, %get3A_13] : memref<512x1024xf32, #tpu.memory_space<vmem>>, vector<512x1024xf32>
    %dot_general3A_15 = arith.constant dense<0.000000e+00> : vector<512x1024xf32>
    %dot_general3A_16 = tpu.matmul %select_n3A, %get3A_14, %dot_general3A_15 {dimension_numbers = #tpu.dot_dimension_numbers<[1], [0], [0], [1], [0, 0, 1, 1], [], []>, transpose_lhs_hint = false} : vector<512x512xf32>, vector<512x1024xf32>, vector<512x1024xf32> -> vector<512x1024xf32>
    %get3A_17 = arith.constant 0 : index
    %get3A_18 = arith.constant 0 : index
    %get3A_19 = vector.load %arg5[%get3A_17, %get3A_18] : memref<512x1024xf32, #tpu.memory_space<vmem>>, vector<512x1024xf32>
    %add3A = arith.addf %dot_general3A_16, %get3A_19 : vector<512x1024xf32>
    %swap3A = arith.constant 0 : index
    %swap3A_20 = arith.constant 0 : index
    %swap3A_21 = vector.load %arg6[%swap3A, %swap3A_20] : memref<512x1024xf32, #tpu.memory_space<vmem>>, vector<512x1024xf32>
    tpu.vector_store %arg6[%swap3A, %swap3A_20], %add3A {strides = array<i32>} : memref<512x1024xf32, #tpu.memory_space<vmem>>, vector<512x1024xf32>,
    return
  }
  func.func @transform_0(%arg0: i32) -> (i32, i32) {
    %c0_i32 = arith.constant 0 : i32
    %c0_i32_0 = arith.constant 0 : i32
    return %arg0, %c0_i32 : i32, i32
  }
  func.func @transform_1(%arg0: i32) -> (i32, i32) {
    %c0_i32 = arith.constant 0 : i32
    %c0_i32_0 = arith.constant 0 : i32
    return %arg0, %c0_i32 : i32, i32
  }
  func.func @transform_2(%arg0: i32) -> (i32, i32) {
    %c0_i32 = arith.constant 0 : i32
    %c0_i32_0 = arith.constant 0 : i32
    %c0_i32_1 = arith.constant 0 : i32
    return %c0_i32, %c0_i32_0 : i32, i32
  }
  func.func @transform_3(%arg0: i32) -> (i32, i32) {
    %c0_i32 = arith.constant 0 : i32
    %c0_i32_0 = arith.constant 0 : i32
    %c0_i32_1 = arith.constant 0 : i32
    return %c0_i32, %c0_i32_0 : i32, i32
  }
  func.func @transform_4(%arg0: i32) -> (i32, i32) {
    %c0_i32 = arith.constant 0 : i32
    %c0_i32_0 = arith.constant 0 : i32
    return %arg0, %c0_i32 : i32, i32
  }
  func.func @transform_5(%arg0: i32) -> (i32, i32) {
    %c0_i32 = arith.constant 0 : i32
    %c0_i32_0 = arith.constant 0 : i32
    return %arg0, %c0_i32 : i32, i32
  }
}

</mosaic_0001>

<sc_bundles>
// kernel: kernel.4.cloned.1.call-start
scs
__scs_entry_jumppad:
0x0: {  	(pc) =	sbr.rel $0x88, $3  }
0x1: {  	(tag) =	ssettag $0x0;
	lr =	simm.s32 $0x1  }
0x2: {  	[smem:$0x3F9C] =	sst lr;
	_ =	strace $0xD0000000  }
0x3: {  	_ = 	snop  }
0x4: {  	_ = 	snop  }
0x5: {  	_ = 	snop  }
0x6: {  	_ = 	snop  }
0x7: {  	_ = 	snop  }
__scs_overlays_trampoline_lowered:
0x8: {  	[smem:$0x3FAB] =	sst s0  }
0x9: {  	[smem:$0x3FAC] =	sst s1  }
0xa: {  	[smem:$0x3FAD] =	sst s2  }
0xb: {  	[smem:$0x3FAE] =	sst s3  }
0xc: {  	[smem:$0x3FAF] =	sst s4  }
0xd: {  	[smem:$0x3FB0] =	sst s5  }
0xe: {  	[smem:$0x3FB1] =	sst s6  }
0xf: {  	[smem:$0x3FB2] =	sst s7  }
0x10: {  	[smem:$0x3FB3] =	sst s8  }
0x11: {  	[smem:$0x3FB4] =	sst s9;
	s0 =	simm.s32 @!p0 $0x0  }
0x12: {  	s1 =	sld [smem:$0x3F9A];
	s0 =	simm.s32 @p0 $0x1  }
0x13: {  	[smem:$0x3FB5] =	sst s0;
	s0 =	simm.s32 @!p1 $0x0  }
0x14: {  	s2 =	sld [smem:$0x3F99];
	s0 =	simm.s32 @p1 $0x1  }
0x15: {  	[smem:$0x3FB6] =	sst s0;
	s0 =	simm.s32 @!p2 $0x0  }
0x16: {  	s3 =	sld [smem:$0x3FDB];
	s0 =	simm.s32 @p2 $0x1  }
0x17: {  	s4 =	simm.s32 $0x1BF5;
	[smem:$0x3FB8] =	sst s0  }
0x18: {  	s0 =	sld [smem:$0x3F9B];
	_ =	swait.ge [sflag:s4], $0x0  }
0x19: {  	s7 =	sld [smem:$0x3F9C]  }
0x1a: {  	s8 =	sadd.s32 $0xFFFFE003, lr  }
0x1b: {  	s9 =	sadd.s32 $0xFFFFFEF7, lr;
	s5 =	simm.s32 $0xFFFFFFFF;
	p2 =	slt.u32 s8, $0xFFFFF086  }
0x1c: {  	p1 =	slt.u32 s9, $0xF7A;
	s5 =	simm.s32 @!p2 $0x0  }
0x1d: {  	s5 =	simm.s32 @p1 $0x1;
	p0 =	seq.s32 s7, s2  }
0x1e: {  	s7 =	smul.u32 @!p0 $0xF7A, s2;
	p2 =	seq.s32 @!p0 s5, $0x0  }
0x1f: {  	s9 =	smul.u32 $0xF7A, s1;
	s8 =	simm.s32 @!p0 $0x1BF5;
	p2 =	por !p2, p0  }
0x20: {  	[sflag:s8] =	ssyncset.s32 @!p0 $0xFFFFF086;
	s6 =	sadd.s32 @!p0 s3, s7;
	s7 =	simm.s32 @!p0 $0x108  }
0x21: {  	s3 =	sadd.s32 s3, s9;
	s6 =	sadd.s32 @!p0 $0x88, s6;
	s7 =	simm.s32 @p2 $0x1082  }
0x22: {  	[simem:s7], [sflag:s8] =	dma.local @!p0 [hbm:s6], $0xF7A  }
0x23: {  	s9 =	sor.u32 $0xD0000000, s2;
	s6 =	simm.s32 $0x108;
	_ =	swait.ge @!p0 [sflag:s8], $0x0  }
0x24: {  	s3 =	sadd.s32 $0x88, s3;
	s6 =	simm.s32 @!p1 $0x1082;
	[sflag:s4] =	ssyncset.s32 $0xFFFFF086  }
0x25: {  	[simem:s6], [sflag:s4] =	dma.local [hbm:s3], $0xF7A  }
0x26: {  	[smem:$0x3F9C] =	sst s1;
	(tag) =	ssettag s2;
	_ =	strace s9  }
0x27: {  	s1 =	sld [smem:$0x3FAC]  }
0x28: {  	s2 =	sld [smem:$0x3FAD]  }
0x29: {  	s4 =	sld [smem:$0x3FAF]  }
0x2a: {  	p0 =	seq.s32 s5, $0x0;
	s5 =	sld [smem:$0x3FB0]  }
0x2b: {  	s6 =	sld [smem:$0x3FB1]  }
0x2c: {  	s7 =	sld [smem:$0x3FB2]  }
0x2d: {  	s3 =	simm.s32 $0x108;
	s8 =	sld [smem:$0x3FB3]  }
0x2e: {  	s3 =	simm.s32 @!p0 $0x1082;
	s9 =	sld [smem:$0x3FB4]  }
0x2f: {  	lr =	sadd.s32 s0, s3;
	s0 =	sld [smem:$0x3FAB]  }
0x30: {  	s3 =	sld [smem:$0x3FAE]  }
0x31: {  	[smem:$0x3FB7] =	sst s10  }
0x32: {  	s10 =	sld [smem:$0x3FB5];
	_ =	sdelay $0x3  }
0x33: {  	p0 =	seq.s32 s10, $0x1;
	s10 =	sld [smem:$0x3FB7];
	_ =	sdelay $0x3  }
0x34: {  	[smem:$0x3FB7] =	sst s10  }
0x35: {  	s10 =	sld [smem:$0x3FB6];
	_ =	sdelay $0x3  }
0x36: {  	p1 =	seq.s32 s10, $0x1;
	s10 =	sld [smem:$0x3FB7];
	_ =	sdelay $0x3  }
0x37: {  	[smem:$0x3FB7] =	sst s10  }
0x38: {  	s10 =	sld [smem:$0x3FB8]  }
0x39: {  	_ = 	snop;
	(pc) =	sbr.ind lr, $3  }
0x3a: {  	_ = 	snop  }
0x3b: {  	_ = 	snop  }
0x3c: {  	p2 =	seq.s32 s10, $0x1;
	s10 =	sld [smem:$0x3FB7]  }
0x3d: {  	_ =	shalt  }
0x3e: {  	_ =	shalt  }
0x3f: {  	_ =	shalt  }
0x40: {  	_ =	shalt  }
0x41: {  	_ =	shalt  }
0x42: {  	_ =	shalt  }
0x43: {  	_ =	shalt  }
0x44: {  	_ =	shalt  }
0x45: {  	_ =	shalt  }
0x46: {  	_ =	shalt  }
0x47: {  	_ =	shalt  }
0x48: {  	_ =	shalt  }
0x49: {  	_ =	shalt  }
0x4a: {  	_ =	shalt  }
0x4b: {  	_ =	shalt  }
0x4c: {  	_ =	shalt  }
0x4d: {  	_ =	shalt  }
0x4e: {  	_ =	shalt  }
0x4f: {  	_ =	shalt  }
0x50: {  	_ =	shalt  }
0x51: {  	_ =	shalt  }
0x52: {  	_ =	shalt  }
0x53: {  	_ =	shalt  }
0x54: {  	_ =	shalt  }
0x55: {  	_ =	shalt  }
0x56: {  	_ =	shalt  }
0x57: {  	_ =	shalt  }
0x58: {  	_ =	shalt  }
0x59: {  	_ =	shalt  }
0x5a: {  	_ =	shalt  }
0x5b: {  	_ =	shalt  }
0x5c: {  	_ =	shalt  }
0x5d: {  	_ =	shalt  }
0x5e: {  	_ =	shalt  }
0x5f: {  	_ =	shalt  }
0x60: {  	_ =	shalt  }
0x61: {  	_ =	shalt  }
0x62: {  	_ =	shalt  }
0x63: {  	_ =	shalt  }
0x64: {  	_ =	shalt  }
0x65: {  	_ =	shalt  }
0x66: {  	_ =	shalt  }
0x67: {  	_ =	shalt  }
0x68: {  	_ =	shalt  }
0x69: {  	_ =	shalt  }
0x6a: {  	_ =	shalt  }
0x6b: {  	_ =	shalt  }
0x6c: {  	_ =	shalt  }
0x6d: {  	_ =	shalt  }
0x6e: {  	_ =	shalt  }
0x6f: {  	_ =	shalt  }
0x70: {  	_ =	shalt  }
0x71: {  	_ =	shalt  }
0x72: {  	_ =	shalt  }
0x73: {  	_ =	shalt  }
0x74: {  	_ =	shalt  }
0x75: {  	_ =	shalt  }
0x76: {  	_ =	shalt  }
0x77: {  	_ =	shalt  }
0x78: {  	_ =	shalt  }
0x79: {  	_ =	shalt  }
0x7a: {  	_ =	shalt  }
0x7b: {  	_ =	shalt  }
0x7c: {  	_ =	shalt  }
0x7d: {  	_ =	shalt  }
0x7e: {  	_ =	shalt  }
0x7f: {  	_ =	shalt  }
0x80: {  	_ =	shalt  }
0x81: {  	_ =	shalt  }
0x82: {  	_ =	shalt  }
0x83: {  	_ =	shalt  }
0x84: {  	_ =	shalt  }
0x85: {  	_ =	shalt  }
0x86: {  	_ =	shalt  }
0x87: {  	_ =	shalt  }
.Lfunc_end0:
.L_simem_size_0:
called_computation_lowered:
.L_overlay_start_0:
0x88: {  	s2 =	sld [smem:$0x3FD9]  }
0x89: {  	s3 =	sld [smem:$0x3FFE];
	_ =	sdelay $0x1  }
0x8a: {  	s1 =	srdreg.scid  }
0x8b: {  	s0 =	sand.u32 $0x1, s1  }
0x8c: {  	s18 =	sshll.u32 s0, $0xA;
	s2 =	sadd.s32 s3, s2  }
0x8d: {  	s2 =	sadd.s32 s2, s18  }
0x8e: {  	[smem:$0x3FC3] =	sst s2  }
0x8f: {  	_ = 	snop  }
0x90: {  	s2 =	sld [smem:$0x3FC8]  }
0x91: {  	s19 =	sld [smem:$0x3FC5]  }
0x92: {  	s4 =	sld [smem:$0x3FD0];
	(tm) =	ssettm $0x1  }
0x93: {  	s5 =	sld [smem:$0x3FFB];
	_ =	sdelay $0x3  }
0x94: {  	_ =	strace s5  }
0x95: {  	s5 =	sld [smem:$0x3FFC];
	_ =	sdelay $0x3  }
0x96: {  	_ =	strace s5  }
0x97: {  	s5 =	sld [smem:$0x3FFD];
	_ =	sdelay $0x3  }
0x98: {  	_ =	strace s5  }
0x99: {  	_ =	strace $0x8FFFFFFF  }
0x9a: {  	s20 =	sld [smem:$0x3FDB];
	_ =	sdelay $0x1  }
0x9b: {  	s6 =	simm.s32 $_scs_section_size  }
0x9c: {  	s7 =	simm.s32 $_size__tile_overlayer_lowered;
	s8 =	simm.s32 $_tile_overlayer_lowered  }
0x9d: {  	s23 =	simm.s32 $0x1BFF;
	s22 =	sshll.u32 s8, $0x1;
	s5 =	sadd.s32 s6, s20  }
0x9e: {  	s9 =	simm.s32 $0x0;
	s21 =	sshll.u32 s7, $0x1;
	s7 =	sadd.s32 s22, s5  }
0x9f: {  	[timem:s9], [sflag:s23] =	dma.local [hbm:s7], s21  }
0xa0: {  	_ =	swait.ge [sflag:s23], s21  }
0xa1: {  	s6 =	ssub.s32 $0x0, s21;
	[sflag:s23] =	ssyncset.done $0x0  }
0xa2: {  	[sflag:s23] =	ssyncadd.s32 s6;
	_ =	sdelay $0x1  }
0xa3: {  	s24 =	simm.s32 $0x1B8B  }
0xa4: {  	_ =	swait.ge [sflag:s24], $0x1  }
0xa5: {  	[sflag:s24] =	ssyncset.done $0x0  }
0xa6: {  	s25 =	simm.s32 $0x1B8E;
	[sflag:s24] =	ssyncadd.s32 $0xFFFFFFFF  }
0xa7: {  	s26 =	simm.s32 $execute0_lowered;
	[smem:$0x3FD2] =	sst s25  }
0xa8: {  	s6 =	sshll.u32 s26, $0x1;
	_ =	strace $0x80000046;
	[dreg:$0x1] =	wrdreg $0xFFFFFFFF  }
0xa9: {  	s28 =	simm.s32 $_size_execute0_lowered;
	s5 =	sadd.s32 s5, s6;
	[dreg:$0x0] =	wrdreg $0x0  }
0xaa: {  	s6 =	sshll.u32 s28, $0x1;
	[dreg:$0x2] =	wrdreg s5  }
0xab: {  	[dreg:$0x3] =	wrdreg s6  }
0xac: {  	[dreg:$0x4] =	wrdreg $0xC0  }
0xad: {  	_ =	task [dreg:s9], $0x5FFFF  }
0xae: {  	[dreg:$0x1] =	wrdreg $0xFFFFFFFF  }
0xaf: {  	[dreg:$0x0] =	wrdreg $0x60  }
0xb0: {  	[dreg:$0x2] =	wrdreg s19  }
0xb1: {  	[dreg:$0x3] =	wrdreg s2  }
0xb2: {  	[dreg:$0x4] =	wrdreg s4  }
0xb3: {  	[dreg:$0x5] =	wrdreg $0x9  }
0xb4: {  	_ =	task.clear_ibuf [dreg:s9], $0x6FFFF;
	_ =	strace $0x90000046  }
0xb5: {  	s29 =	simm.s32 $0x9;
	_ =	strace $0x80000048  }
0xb6: {  	_ =	swait.ge [sflag:s29], $0x1  }
0xb7: {  	[sflag:s29] =	ssyncadd.s32 $0xFFFFFFFF  }
0xb8: {  	_ =	strace $0x90000048  }
0xb9: {  	_ =	sfence  }
0xba: {  	s30 =	sld [smem:$0x0];
	_ =	sdelay $0x2  }
0xbb: {  	s31 =	sshll.u32 s1, $0xD;
	s1 =	sshrl.u32 s1, $0x2  }
0xbc: {  	s3 =	sand.u32 $0x4000, s31;
	s1 =	sadd.s32 s1, s30  }
0xbd: {  	s0 =	sor.u32 s3, s0;
	s1 =	sshll.u32 s1, $0x11  }
0xbe: {  	s0 =	sor.u32 s1, s0  }
0xbf: {  	s0 =	sadd.s32 $0x8F2B, s0  }
0xc0: {  	[sflag:s0] =	ssyncadd.remote.s32 $0x1  }
0xc1: {  	_ =	sfence.sel $0xFFFF  }
0xc2: {  	[dreg:$0x0] =	wrdreg $0xFFFFFFFF;
	(pc) =	sbr.abs _section_cstart, $3  }
0xc3: {  	[dreg:$0x1] =	wrdreg $0xFFFFFFFF  }
0xc4: {  	_ =	task.clear_ibuf [dreg:s9], $0x2FFFF;
	_ =	strace $0x9FFFFFFF  }
0xc5: {  	(tm) =	ssettm $0x7FFFFFFF  }
tec
execute0_lowered:
.L_overlay_start_1:
0x0: {  	(tag) =	ssettag $0x1  }
0x1: {  	s1 =	rddreg [dreg:$0x0]  }
0x2: {  	s2 =	srdreg.scid;
	s4 =	rddreg [dreg:$0x1]  }
0x3: {  	s0 =	stileid.u32;
	s5 =	rddreg [dreg:$0x2]  }
0x4: {  	s3 =	simm.s32 $0x0;
	s17 =	simm.s32 $0x880;
	s18 =	simm.s32 $0x1080  }
0x5: {  	s19 =	simm.s32 $0x1880;
	s21 =	simm.s32 $0x2080;
	s22 =	simm.s32 $0x2880  }
0x6: {  	s23 =	simm.s32 $0x3080;
	s24 =	simm.s32 $0x3880;
	[smem:$0x7FF] =	sst s3  }
0x7: {  	s8 =	simm.s32 $0x4080;
	_ =	strace $0x80000047;
	[dreg:$0x6] =	wrdreg s17  }
0x8: {  	s25 =	simm.s32 $0x4880;
	s26 =	simm.s32 $0x5080;
	[dreg:$0x7] =	wrdreg s18  }
0x9: {  	s9 =	simm.s32 $0x80;
	s11 =	simm.s32 $0x6080;
	[dreg:$0x8] =	wrdreg s19  }
0xa: {  	s12 =	simm.s32 $0x6880;
	s13 =	simm.s32 $0x7080;
	[dreg:$0x9] =	wrdreg s21  }
0xb: {  	s14 =	simm.s32 $0x7880;
	s15 =	simm.s32 $0x8080;
	[dreg:$0xa] =	wrdreg s22  }
0xc: {  	s28 =	simm.s32 $0xE080;
	s29 =	simm.s32 $0xE880;
	[dreg:$0xb] =	wrdreg s23  }
0xd: {  	s30 =	simm.s32 $0xF080;
	s31 =	simm.s32 $0xF880;
	[dreg:$0xc] =	wrdreg s24  }
0xe: {  	s2 =	sand.u32 $0x1, s2;
	s6 =	sshll.u32 s0, $0x7;
	[dreg:$0xd] =	wrdreg s8  }
0xf: {  	s7 =	sshll.u32 s2, $0x6;
	s2 =	ssub.s32 $0x2, s2;
	[dreg:$0xe] =	wrdreg s25  }
0x10: {  	s8 =	simm.s32 $0x2;
	[dreg:$0xf] =	wrdreg s26;
	s17 =	simm.s32 $0x9080  }
0x11: {  	s18 =	simm.s32 $0x9880;
	s19 =	simm.s32 $0xA080;
	s21 =	simm.s32 $0xB080  }
0x12: {  	s22 =	simm.s32 $0xB880;
	s23 =	simm.s32 $0xC080;
	s24 =	simm.s32 $0xC880  }
0x13: {  	s25 =	simm.s32 $0xD080;
	s26 =	simm.s32 $0xD880;
	s6 =	sor.u32 s7, s6  }
0x14: {  	s20 =	sshrl.u32 s2, $0x1;
	s7 =	sshrl.u32 s6, $0x3;
	s6 =	sshll.u32 s6, $0x7  }
0x15: {  	s2 =	ssub.s32 s2, s20;
	s20 =	simm.s32 $0xA880;
	s4 =	sadd.s32 s4, s7  }
0x16: {  	v2 =	vlaneseq.u32;
	s16 =	sadd.s32 s5, s6;
	s5 =	sadd.s32 $0x200, s1;
	s6 =	sadd.s32 $0x300, s1  }
0x17: {  	vm0 =	vmmov $0xffff;
	v1 =	vshrl.u32 v2, $0x3;
	s7 =	smax.u32 s2, $0x1;
	s2 =	simm.s32 $0x1;
	[dreg:$0x4] =	wrdreg s4  }
0x18: {  	v0 =	vand.u32 $0x7, v2;
	v2 =	vor.u32 $0x8, v2;
	v1 =	vmul.u32 $0x8, v1;
	[dreg:$0x5] =	wrdreg s16;
	s4 =	sadd.s32 $0x100, s1;
	s16 =	simm.s32 $0x8880  }
.LBB2_1:
0x19: {  	s0 =	rddreg [dreg:$0x4]  }
0x1a: {  	[tilespmem:s3], [sflag:$0x2] =	stream.linear.gather [hbm4b:s0+s3], $0x40, $0x38;
	[tilespmem:$0x10080] =	vst v63  }
0x1b: {  	_ =	swait.ge [sflag:s8], $0x40  }
0x1c: {  	[sflag:s8] =	ssyncset.done $0x0  }
0x1d: {  	[sflag:s8] =	ssyncadd.s32 $0xFFFFFFC0  }
0x1e: {  	v3 =	vld [tilespmem:$0x0];
	_ =	sdelay $0x4  }
0x1f: {  	v4 =	vshll.u32 v3, $0x3  }
0x20: {  	v3 =	vand.u32 $0x7, v3;
	v4 =	vand.u32 $0xFFFFFFC0, v4  }
0x21: {  	v3 =	vor.u32 v3, v4  }
0x22: {  	v4 =	vperm.xlane v3, v0;
	_ =	sdelay $0x1  }
0x23: {  	v4 =	vadd.s32 v1, v4;
	_ =	sdelay $0x4  }
0x24: {  	[tilespmem:s9], [sflag:$0x1] =	stream.indirect_vreg.gather [hbm4b:s1+s3], $0x80, v4, vm0, $0xb8;
	[tilespmem:$0x10080] =	vst v63  }
0x25: {  	s0 =	rddreg [dreg:$0x6];
	v3 =	vperm.xlane v3, v2  }
0x26: {  	[tilespmem:s0], [sflag:$0x1] =	stream.indirect_vreg.gather [hbm4b:s4+s3], $0x80, v4, vm0, $0xb8;
	[tilespmem:$0x10080] =	vst v63  }
0x27: {  	s10 =	rddreg [dreg:$0x7];
	v3 =	vadd.s32 v1, v3  }
0x28: {  	[tilespmem:s10], [sflag:$0x1] =	stream.indirect_vreg.gather [hbm4b:s5+s3], $0x80, v4, vm0, $0xb8;
	[tilespmem:$0x10080] =	vst v63  }
0x29: {  	s0 =	rddreg [dreg:$0x8]  }
0x2a: {  	[tilespmem:s0], [sflag:$0x1] =	stream.indirect_vreg.gather [hbm4b:s6+s3], $0x80, v4, vm0, $0xb8;
	[tilespmem:$0x10080] =	vst v63  }
0x2b: {  	s10 =	rddreg [dreg:$0x9]  }
0x2c: {  	[tilespmem:s10], [sflag:$0x1] =	stream.indirect_vreg.gather [hbm4b:s1+s3], $0x80, v3, vm0, $0xb8;
	[tilespmem:$0x10080] =	vst v63  }
0x2d: {  	s0 =	rddreg [dreg:$0xa]  }
0x2e: {  	[tilespmem:s0], [sflag:$0x1] =	stream.indirect_vreg.gather [hbm4b:s4+s3], $0x80, v3, vm0, $0xb8;
	[tilespmem:$0x10080] =	vst v63  }
0x2f: {  	s10 =	rddreg [dreg:$0xb]  }
0x30: {  	[tilespmem:s10], [sflag:$0x1] =	stream.indirect_vreg.gather [hbm4b:s5+s3], $0x80, v3, vm0, $0xb8;
	[tilespmem:$0x10080] =	vst v63  }
0x31: {  	s0 =	rddreg [dreg:$0xc]  }
0x32: {  	[tilespmem:s0], [sflag:$0x1] =	stream.indirect_vreg.gather [hbm4b:s6+s3], $0x80, v3, vm0, $0xb8;
	[tilespmem:$0x10080] =	vst v63  }
0x33: {  	v3 =	vld [tilespmem:$0x10];
	_ =	sdelay $0x4  }
0x34: {  	v61 =	vshll.u32 v3, $0x3  }
0x35: {  	v3 =	vand.u32 $0x7, v3;
	v4 =	vand.u32 $0xFFFFFFC0, v61  }
0x36: {  	v3 =	vor.u32 v3, v4  }
0x37: {  	v4 =	vperm.xlane v3, v0;
	_ =	sdelay $0x1  }
0x38: {  	v4 =	vadd.s32 v1, v4;
	_ =	sdelay $0x3  }
0x39: {  	s0 =	rddreg [dreg:$0xd]  }
0x3a: {  	[tilespmem:s0], [sflag:$0x1] =	stream.indirect_vreg.gather [hbm4b:s1+s3], $0x80, v4, vm0, $0xb8;
	[tilespmem:$0x10080] =	vst v63  }
0x3b: {  	s10 =	rddreg [dreg:$0xe];
	v3 =	vperm.xlane v3, v2  }
0x3c: {  	[tilespmem:s10], [sflag:$0x1] =	stream.indirect_vreg.gather [hbm4b:s4+s3], $0x80, v4, vm0, $0xb8;
	[tilespmem:$0x10080] =	vst v63  }
0x3d: {  	v3 =	vadd.s32 v1, v3;
	s0 =	rddreg [dreg:$0xf]  }
0x3e: {  	[tilespmem:s0], [sflag:$0x1] =	stream.indirect_vreg.gather [hbm4b:s5+s3], $0x80, v4, vm0, $0xb8;
	[tilespmem:$0x10080] =	vst v63  }
0x3f: {  	s10 =	simm.s32 $0x5880  }
0x40: {  	[tilespmem:s10], [sflag:$0x1] =	stream.indirect_vreg.gather [hbm4b:s6+s3], $0x80, v4, vm0, $0xb8;
	[tilespmem:$0x10080] =	vst v63  }
0x41: {  	_ = 	snop  }
0x42: {  	[tilespmem:s11], [sflag:$0x1] =	stream.indirect_vreg.gather [hbm4b:s1+s3], $0x80, v3, vm0, $0xb8;
	[tilespmem:$0x10080] =	vst v63  }
0x43: {  	_ = 	snop  }
0x44: {  	[tilespmem:s12], [sflag:$0x1] =	stream.indirect_vreg.gather [hbm4b:s4+s3], $0x80, v3, vm0, $0xb8;
	[tilespmem:$0x10080] =	vst v63  }
0x45: {  	_ = 	snop  }
0x46: {  	[tilespmem:s13], [sflag:$0x1] =	stream.indirect_vreg.gather [hbm4b:s5+s3], $0x80, v3, vm0, $0xb8;
	[tilespmem:$0x10080] =	vst v63  }
0x47: {  	_ = 	snop  }
0x48: {  	[tilespmem:s14], [sflag:$0x1] =	stream.indirect_vreg.gather [hbm4b:s6+s3], $0x80, v3, vm0, $0xb8;
	[tilespmem:$0x10080] =	vst v63  }
0x49: {  	v3 =	vld [tilespmem:$0x20];
	_ =	sdelay $0x4  }
0x4a: {  	v62 =	vshll.u32 v3, $0x3  }
0x4b: {  	v3 =	vand.u32 $0x7, v3;
	v4 =	vand.u32 $0xFFFFFFC0, v62  }
0x4c: {  	v3 =	vor.u32 v3, v4  }
0x4d: {  	v4 =	vperm.xlane v3, v0;
	_ =	sdelay $0x1  }
0x4e: {  	v4 =	vadd.s32 v1, v4;
	_ =	sdelay $0x4  }
0x4f: {  	[tilespmem:s15], [sflag:$0x1] =	stream.indirect_vreg.gather [hbm4b:s1+s3], $0x80, v4, vm0, $0xb8;
	[tilespmem:$0x10080] =	vst v63  }
0x50: {  	v3 =	vperm.xlane v3, v2  }
0x51: {  	[tilespmem:s16], [sflag:$0x1] =	stream.indirect_vreg.gather [hbm4b:s4+s3], $0x80, v4, vm0, $0xb8;
	[tilespmem:$0x10080] =	vst v63  }
0x52: {  	v3 =	vadd.s32 v1, v3  }
0x53: {  	[tilespmem:s17], [sflag:$0x1] =	stream.indirect_vreg.gather [hbm4b:s5+s3], $0x80, v4, vm0, $0xb8;
	[tilespmem:$0x10080] =	vst v63  }
0x54: {  	_ = 	snop  }
0x55: {  	[tilespmem:s18], [sflag:$0x1] =	stream.indirect_vreg.gather [hbm4b:s6+s3], $0x80, v4, vm0, $0xb8;
	[tilespmem:$0x10080] =	vst v63  }
0x56: {  	_ = 	snop  }
0x57: {  	[tilespmem:s19], [sflag:$0x1] =	stream.indirect_vreg.gather [hbm4b:s1+s3], $0x80, v3, vm0, $0xb8;
	[tilespmem:$0x10080] =	vst v63  }
0x58: {  	_ = 	snop  }
0x59: {  	[tilespmem:s20], [sflag:$0x1] =	stream.indirect_vreg.gather [hbm4b:s4+s3], $0x80, v3, vm0, $0xb8;
	[tilespmem:$0x10080] =	vst v63  }
0x5a: {  	_ = 	snop  }
0x5b: {  	[tilespmem:s21], [sflag:$0x1] =	stream.indirect_vreg.gather [hbm4b:s5+s3], $0x80, v3, vm0, $0xb8;
	[tilespmem:$0x10080] =	vst v63  }
0x5c: {  	_ = 	snop  }
0x5d: {  	[tilespmem:s22], [sflag:$0x1] =	stream.indirect_vreg.gather [hbm4b:s6+s3], $0x80, v3, vm0, $0xb8;
	[tilespmem:$0x10080] =	vst v63  }
0x5e: {  	v3 =	vld [tilespmem:$0x30];
	_ =	sdelay $0x4  }
0x5f: {  	v63 =	vshll.u32 v3, $0x3  }
0x60: {  	v3 =	vand.u32 $0x7, v3;
	v4 =	vand.u32 $0xFFFFFFC0, v63  }
0x61: {  	v3 =	vor.u32 v3, v4  }
0x62: {  	v4 =	vperm.xlane v3, v0;
	_ =	sdelay $0x1  }
0x63: {  	v4 =	vadd.s32 v1, v4;
	_ =	sdelay $0x4  }
0x64: {  	[tilespmem:s23], [sflag:$0x1] =	stream.indirect_vreg.gather [hbm4b:s1+s3], $0x80, v4, vm0, $0xb8;
	[tilespmem:$0x10080] =	vst v63  }
0x65: {  	v3 =	vperm.xlane v3, v2  }
0x66: {  	[tilespmem:s24], [sflag:$0x1] =	stream.indirect_vreg.gather [hbm4b:s4+s3], $0x80, v4, vm0, $0xb8;
	[tilespmem:$0x10080] =	vst v63  }
0x67: {  	v3 =	vadd.s32 v1, v3  }
0x68: {  	[tilespmem:s25], [sflag:$0x1] =	stream.indirect_vreg.gather [hbm4b:s5+s3], $0x80, v4, vm0, $0xb8;
	[tilespmem:$0x10080] =	vst v63  }
0x69: {  	_ = 	snop  }
0x6a: {  	[tilespmem:s26], [sflag:$0x1] =	stream.indirect_vreg.gather [hbm4b:s6+s3], $0x80, v4, vm0, $0xb8;
	[tilespmem:$0x10080] =	vst v63  }
0x6b: {  	_ = 	snop  }
0x6c: {  	[tilespmem:s28], [sflag:$0x1] =	stream.indirect_vreg.gather [hbm4b:s1+s3], $0x80, v3, vm0, $0xb8;
	[tilespmem:$0x10080] =	vst v63  }
0x6d: {  	_ = 	snop  }
0x6e: {  	[tilespmem:s29], [sflag:$0x1] =	stream.indirect_vreg.gather [hbm4b:s4+s3], $0x80, v3, vm0, $0xb8;
	[tilespmem:$0x10080] =	vst v63  }
0x6f: {  	_ = 	snop  }
0x70: {  	[tilespmem:s30], [sflag:$0x1] =	stream.indirect_vreg.gather [hbm4b:s5+s3], $0x80, v3, vm0, $0xb8;
	[tilespmem:$0x10080] =	vst v63  }
0x71: {  	_ = 	snop  }
0x72: {  	[tilespmem:s31], [sflag:$0x1] =	stream.indirect_vreg.gather [hbm4b:s6+s3], $0x80, v3, vm0, $0xb8;
	[tilespmem:$0x10080] =	vst v63  }
0x73: {  	_ =	swait.ge [sflag:s2], $0x10000  }
0x74: {  	p0 =	sne.s32 s7, $0x1;
	[sflag:s2] =	ssyncset.done $0x0  }
.Ltmp0:
0x75: {  	s10 =	rddreg [dreg:$0x5];
	[sflag:s2] =	ssyncadd.s32 $0xFFFF0000;
	(pc) =	sbr.rel @p0 .LBB2_1-.Ltmp0, $4  }
0x76: {  	[hbm4b:s10+s3] =	stream.linear.scatter [tilespmem:s9], [sflag:$0x2], $0x10000, $0x38;
	[tilespmem:$0x10080] =	vst v63  }
0x77: {  	_ =	swait.ge [sflag:s8], $0x10000  }
0x78: {  	[sflag:s8] =	ssyncset.done $0x0  }
0x79: {  	s7 =	sadd.s32 $0xFFFFFFFF, s7;
	[sflag:s8] =	ssyncadd.s32 $0xFFFF0000  }
0x7a: {  	_ =	sfence.sel $0x180000  }
0x7b: {  	[bflag:$0x0] =	sbarrier.arrive $0xFFFF  }
0x7c: {  	_ =	strace $0x90000047  }
0x7d: {  	s0 =	stileid.u32;
	[bflag:$0x2] =	sbarrier.arrive $0xFFFF  }
0x7e: {  	p0 =	sne.s32 s0, $0x0;
	s0 =	rddreg [dreg:$0x3]  }
0x7f: {  	s0 =	sadd.s32 @!p0 $0x100000, s0  }
0x80: {  	[sflag:s0] =	ssyncadd.tile.s32 @!p0 $0x1;
	_ =	shalt  }
.Lfunc_end2:
_tile_overlayer_lowered:
.L_overlay_start_2:
0x81: {  	(tag) =	ssettag $0x2  }
0x82: {  	s0 =	rddreg [dreg:$0x0];
	s2 =	stileid.u32  }
0x83: {  	s1 =	rddreg [dreg:$0x1];
	p0 =	sne.s32 s2, $0x0  }
0x84: {  	s3 =	rddreg [dreg:$0x2];
	[bflag:$0x3] =	sbarrier.arrive $0xFFFF;
	s2 =	simm.s32 @!p0 $0x1C02  }
0x85: {  	[timem:s3], [sflag:s2] =	dma.local @!p0 [hbm:s0], s1  }
0x86: {  	s0 =	simm.s32 @!p0 $0x2  }
0x87: {  	_ =	swait.ge @!p0 [sflag:s0], s1  }
0x88: {  	s1 =	ssub.s32 @!p0 $0x0, s1;
	[sflag:s0] =	ssyncset.done @!p0 $0x0  }
0x89: {  	[sflag:s0] =	ssyncadd.s32 @!p0 s1  }
0x8a: {  	[bflag:$0x3] =	sbarrier.arrive $0xFFFF  }
0x8b: {  	_ =	shalt  }

</sc_bundles>
